<compile_context>
chip_gen: v7x
topology: tpu7x:2x2x1
jax: 0.10.2.dev20260603
libtpu: 0.0.44.dev20260713+nightly
codegen_flags: <defaults>
</compile_context>

<pallas_src>
import functools

import numpy as np
import jax
import jax.numpy as jnp
from jax import lax
from jax.experimental import pallas as pl
from jax.experimental.pallas import tpu as pltpu
from jax.experimental.pallas import tpu_sc as plsc

_N = 16384
_D = 128
_TBL = 1008
_LANES = 16
_GW = 16
_GBPW = _N // _GW


def _make_table():
    betas = np.concatenate([
        np.zeros((1,), np.float32),
        np.linspace(1e-4, 0.02, 1000, dtype=np.float32),
    ]).astype(np.float32)
    abar = np.cumprod((1.0 - betas).astype(np.float32), dtype=np.float32)
    sqrt_a = np.sqrt(abar).astype(np.float32)
    sqrt_b = np.sqrt((1.0 - abar).astype(np.float32)).astype(np.float32)
    pad = _TBL - abar.shape[0]
    return np.concatenate([np.pad(sqrt_a, (0, pad)), np.pad(sqrt_b, (0, pad))])


_SQRT_TBL = _make_table()


def _sc_gather(t):
    mesh = plsc.VectorSubcoreMesh(
        core_axis_name="c", subcore_axis_name="s", num_cores=1)

    @functools.partial(
        pl.kernel,
        mesh=mesh,
        out_type=[
            jax.ShapeDtypeStruct((_N,), jnp.float32),
            jax.ShapeDtypeStruct((_N,), jnp.float32),
        ],
        scratch_types=[
            pltpu.VMEM((_GBPW,), jnp.int32),
            pltpu.VMEM((2 * _TBL,), jnp.float32),
            pltpu.VMEM((_GBPW,), jnp.float32),
            pltpu.VMEM((_GBPW,), jnp.float32),
        ],
        compiler_params=pltpu.CompilerParams(
            needs_layout_passes=False, skip_device_barrier=True),
    )
    def k(t_hbm, tbl_hbm, oa_hbm, ob_hbm, t_v, tbl_v, oa_v, ob_v):
        wid = lax.axis_index("s")
        base = wid * _GBPW
        pltpu.sync_copy(t_hbm.at[pl.ds(base, _GBPW)], t_v)
        pltpu.sync_copy(tbl_hbm, tbl_v)

        def body(g, carry):
            off = g * _LANES
            idx = t_v[pl.ds(off, _LANES)]
            oa_v[pl.ds(off, _LANES)] = plsc.load_gather(tbl_v, [idx])
            ob_v[pl.ds(off, _LANES)] = plsc.load_gather(tbl_v, [idx + _TBL])
            return carry

        lax.fori_loop(0, _GBPW // _LANES, body, 0)
        pltpu.sync_copy(oa_v, oa_hbm.at[pl.ds(base, _GBPW)])
        pltpu.sync_copy(ob_v, ob_hbm.at[pl.ds(base, _GBPW)])

    return k(t, jnp.asarray(_SQRT_TBL))


_ROWS_PER_BLOCK = 8192


def _tc_combine(a, b, x0, noise):

    def body(a_ref, b_ref, x_ref, n_ref, o_ref):
        av = a_ref[...].reshape(_ROWS_PER_BLOCK, 1)
        bv = b_ref[...].reshape(_ROWS_PER_BLOCK, 1)
        o_ref[...] = bv * n_ref[...] + av * x_ref[...]

    grid = _N // _ROWS_PER_BLOCK
    return pl.pallas_call(
        body,
        grid=(grid,),
        in_specs=[
            pl.BlockSpec((_ROWS_PER_BLOCK,), lambda i: (i,)),
            pl.BlockSpec((_ROWS_PER_BLOCK,), lambda i: (i,)),
            pl.BlockSpec((_ROWS_PER_BLOCK, _D), lambda i: (i, 0)),
            pl.BlockSpec((_ROWS_PER_BLOCK, _D), lambda i: (i, 0)),
        ],
        out_specs=pl.BlockSpec((_ROWS_PER_BLOCK, _D), lambda i: (i, 0)),
        out_shape=jax.ShapeDtypeStruct((_N, _D), jnp.float32),
    )(a, b, x0, noise)


def kernel(x0, t, noise):
    a, b = _sc_gather(t.astype(jnp.int32))
    return _tc_combine(a, b, x0, noise)

# --- scband reference (transcript-rebuilt; emitter-appended) ---
"""Pipeline reference for scband-ddpm-72782515798305 (READ-ONLY COPY).

The authoritative reference and input builder live on the scoring server;
editing this copy changes nothing except your own understanding.
"""

import jax, jax.numpy as jnp
import numpy as np

N_STEPS = 1000
MIN_BETA = 1e-4
MAX_BETA = 0.02


def _alpha_bars():
    betas = jnp.concatenate([
        jnp.zeros((1,), dtype=jnp.float32),
        jnp.linspace(MIN_BETA, MAX_BETA, N_STEPS, dtype=jnp.float32),
    ], axis=0)
    alphas = 1.0 - betas
    return jnp.cumprod(alphas, axis=0)


def setup_inputs(seed: int = 0) -> dict:
    key = jax.random.key(seed)
    k1, k2, k3 = jax.random.split(key, 3)
    x0 = jax.random.normal(k1, (16384, 128), dtype=jnp.float32)
    t = jax.random.randint(k2, (16384,), 0, 1000)
    noise = jax.random.normal(k3, (16384, 128), dtype=jnp.float32)
    return {"x0": x0, "t": t, "noise": noise}


def reference(x0, t, noise):
    # Faithful translation of DDPM.forward with noise provided explicitly.
    alpha_bars = _alpha_bars()
    if x0.ndim == 1:
        x0 = x0[None, :]
    n = x0.shape[0]
    # embedding-style gather from the precomputed schedule table
    a_bar = jnp.take(alpha_bars, t, axis=0)
    y = jnp.sqrt(1.0 - a_bar).reshape(n, 1) * noise + jnp.sqrt(a_bar).reshape(n, 1) * x0
    return y

if __name__ == "__main__":
    import jax
    _d = setup_inputs()
    print(jax.jit(kernel)(*tuple(_d.values())))

</pallas_src>

<mosaic_0001>
#map = affine_map<(d0, d1) -> (0)>
module attributes {stable_mosaic.version = 14 : i64} {
  func.func @k(%arg0: i32, %arg1: i32, %arg2: memref<16384xi32, #tpu.memory_space<hbm>>, %arg3: memref<2016xf32, #tpu.memory_space<hbm>>, %arg4: memref<16384xf32, #tpu.memory_space<hbm>>, %arg5: memref<16384xf32, #tpu.memory_space<hbm>>, %arg6: memref<1024xi32, #tpu.memory_space<vmem>>, %arg7: memref<2016xf32, #tpu.memory_space<vmem>>, %arg8: memref<1024xf32, #tpu.memory_space<vmem>>, %arg9: memref<1024xf32, #tpu.memory_space<vmem>>) attributes {dimension_semantics = [#tpu.dimension_semantics<core_parallel>, #tpu.dimension_semantics<subcore_parallel>], iteration_bounds = array<i64: 1, 16>, scalar_prefetch = 0 : i64, scratch_operands = 4 : i64, tpu.core_type = #tpu.core_type<sc_vector_subcore>, window_params = [{transform_indices = #map}, {transform_indices = #map}, {transform_indices = #map}, {transform_indices = #map}]} {
    %mul3A = arith.constant 1024 : i32
    %mul3A_0 = arith.muli %arg1, %mul3A : i32
    "tpu.region"() ({
      %run_scoped3A = tpu.sem_alloc : memref<!tpu.dma_semaphore, #tpu.memory_space<semaphore_mem>>
      %dma_start3A = tpu.memref_slice %arg2[%mul3A_0] : memref<16384xi32, #tpu.memory_space<hbm>> -> memref<1024xi32, #tpu.memory_space<hbm>>
      %dma_start3A_6 = tpu.memref_slice %arg2[%mul3A_0] : memref<16384xi32, #tpu.memory_space<hbm>> -> memref<1024xi32, #tpu.memory_space<hbm>>
      tpu.enqueue_dma source(%dma_start3A_6 : memref<1024xi32, #tpu.memory_space<hbm>>) target(%arg6 : memref<1024xi32, #tpu.memory_space<vmem>>) target_semaphore(%run_scoped3A : memref<!tpu.dma_semaphore, #tpu.memory_space<semaphore_mem>>)
      %dma_wait3A = tpu.memref_slice %arg2[%mul3A_0] : memref<16384xi32, #tpu.memory_space<hbm>> -> memref<1024xi32, #tpu.memory_space<hbm>>
      %dma_wait3A_7 = tpu.memref_slice %arg2[%mul3A_0] : memref<16384xi32, #tpu.memory_space<hbm>> -> memref<1024xi32, #tpu.memory_space<hbm>>
      tpu.wait_dma2 semaphore(%run_scoped3A : memref<!tpu.dma_semaphore, #tpu.memory_space<semaphore_mem>>) src(%dma_wait3A_7 : memref<1024xi32, #tpu.memory_space<hbm>>) dst(%arg6 : memref<1024xi32, #tpu.memory_space<vmem>>)
      tpu.yield
    }) : () -> ()
    "tpu.region"() ({
      %run_scoped3A = tpu.sem_alloc : memref<!tpu.dma_semaphore, #tpu.memory_space<semaphore_mem>>
      tpu.enqueue_dma source(%arg3 : memref<2016xf32, #tpu.memory_space<hbm>>) target(%arg7 : memref<2016xf32, #tpu.memory_space<vmem>>) target_semaphore(%run_scoped3A : memref<!tpu.dma_semaphore, #tpu.memory_space<semaphore_mem>>)
      tpu.wait_dma2 semaphore(%run_scoped3A : memref<!tpu.dma_semaphore, #tpu.memory_space<semaphore_mem>>) src(%arg3 : memref<2016xf32, #tpu.memory_space<hbm>>) dst(%arg7 : memref<2016xf32, #tpu.memory_space<vmem>>)
      tpu.yield
    }) : () -> ()
    %scan3A = arith.constant 0 : i32
    %scan3A_1 = arith.constant 0 : i32
    %scan3A_2 = arith.constant 64 : i32
    %scan3A_3 = arith.addi %scan3A_1, %scan3A_2 : i32
    %scan3A_4 = arith.constant 1 : i32
    scf.for %scan3A_6 = %scan3A_1 to %scan3A_3 step %scan3A_4  : i32 {
      %mul3A_7 = arith.constant 16 : i32
      %mul3A_8 = arith.muli %scan3A_6, %mul3A_7 : i32
      %get3A = arith.index_cast %mul3A_8 : i32 to index
      %get3A_9 = tpu.vector_load %arg6[%get3A] {strides = array<i32>} : memref<1024xi32, #tpu.memory_space<vmem>>, vector<16xi32>,
      %gather3A = tpu.vector_load_idx %arg7[%get3A_9] : memref<2016xf32, #tpu.memory_space<vmem>>[vector<16xi32>], vector<16xf32>,
      %swap3A = arith.index_cast %mul3A_8 : i32 to index
      %swap3A_10 = tpu.vector_load %arg8[%swap3A] {strides = array<i32>} : memref<1024xf32, #tpu.memory_space<vmem>>, vector<16xf32>,
      tpu.vector_store %arg8[%swap3A], %gather3A {strides = array<i32>} : memref<1024xf32, #tpu.memory_space<vmem>>, vector<16xf32>,
      %add3A = arith.constant 1008 : i32
      %add3A_11 = vector.broadcast %add3A : i32 to vector<16xi32>
      %add3A_12 = arith.addi %get3A_9, %add3A_11 : vector<16xi32>
      %gather3A_13 = tpu.vector_load_idx %arg7[%add3A_12] : memref<2016xf32, #tpu.memory_space<vmem>>[vector<16xi32>], vector<16xf32>,
      %swap3A_14 = arith.index_cast %mul3A_8 : i32 to index
      %swap3A_15 = tpu.vector_load %arg9[%swap3A_14] {strides = array<i32>} : memref<1024xf32, #tpu.memory_space<vmem>>, vector<16xf32>,
      tpu.vector_store %arg9[%swap3A_14], %gather3A_13 {strides = array<i32>} : memref<1024xf32, #tpu.memory_space<vmem>>, vector<16xf32>,
    }
    %scan3A_5 = arith.constant 64 : i32
    "tpu.region"() ({
      %run_scoped3A = tpu.sem_alloc : memref<!tpu.dma_semaphore, #tpu.memory_space<semaphore_mem>>
      %dma_start3A = tpu.memref_slice %arg4[%mul3A_0] : memref<16384xf32, #tpu.memory_space<hbm>> -> memref<1024xf32, #tpu.memory_space<hbm>>
      %dma_start3A_6 = tpu.memref_slice %arg4[%mul3A_0] : memref<16384xf32, #tpu.memory_space<hbm>> -> memref<1024xf32, #tpu.memory_space<hbm>>
      tpu.enqueue_dma source(%arg8 : memref<1024xf32, #tpu.memory_space<vmem>>) target(%dma_start3A_6 : memref<1024xf32, #tpu.memory_space<hbm>>) target_semaphore(%run_scoped3A : memref<!tpu.dma_semaphore, #tpu.memory_space<semaphore_mem>>)
      %dma_wait3A = tpu.memref_slice %arg4[%mul3A_0] : memref<16384xf32, #tpu.memory_space<hbm>> -> memref<1024xf32, #tpu.memory_space<hbm>>
      %dma_wait3A_7 = tpu.memref_slice %arg4[%mul3A_0] : memref<16384xf32, #tpu.memory_space<hbm>> -> memref<1024xf32, #tpu.memory_space<hbm>>
      tpu.wait_dma2 semaphore(%run_scoped3A : memref<!tpu.dma_semaphore, #tpu.memory_space<semaphore_mem>>) src(%arg8 : memref<1024xf32, #tpu.memory_space<vmem>>) dst(%dma_wait3A_7 : memref<1024xf32, #tpu.memory_space<hbm>>)
      tpu.yield
    }) : () -> ()
    "tpu.region"() ({
      %run_scoped3A = tpu.sem_alloc : memref<!tpu.dma_semaphore, #tpu.memory_space<semaphore_mem>>
      %dma_start3A = tpu.memref_slice %arg5[%mul3A_0] : memref<16384xf32, #tpu.memory_space<hbm>> -> memref<1024xf32, #tpu.memory_space<hbm>>
      %dma_start3A_6 = tpu.memref_slice %arg5[%mul3A_0] : memref<16384xf32, #tpu.memory_space<hbm>> -> memref<1024xf32, #tpu.memory_space<hbm>>
      tpu.enqueue_dma source(%arg9 : memref<1024xf32, #tpu.memory_space<vmem>>) target(%dma_start3A_6 : memref<1024xf32, #tpu.memory_space<hbm>>) target_semaphore(%run_scoped3A : memref<!tpu.dma_semaphore, #tpu.memory_space<semaphore_mem>>)
      %dma_wait3A = tpu.memref_slice %arg5[%mul3A_0] : memref<16384xf32, #tpu.memory_space<hbm>> -> memref<1024xf32, #tpu.memory_space<hbm>>
      %dma_wait3A_7 = tpu.memref_slice %arg5[%mul3A_0] : memref<16384xf32, #tpu.memory_space<hbm>> -> memref<1024xf32, #tpu.memory_space<hbm>>
      tpu.wait_dma2 semaphore(%run_scoped3A : memref<!tpu.dma_semaphore, #tpu.memory_space<semaphore_mem>>) src(%arg9 : memref<1024xf32, #tpu.memory_space<vmem>>) dst(%dma_wait3A_7 : memref<1024xf32, #tpu.memory_space<hbm>>)
      tpu.yield
    }) : () -> ()
    return
  }
}

module attributes {stable_mosaic.version = 14 : i64} {
  func.func @body(%arg0: i32, %arg1: memref<8192xf32, #tpu.memory_space<vmem>>, %arg2: memref<8192xf32, #tpu.memory_space<vmem>>, %arg3: memref<8192x128xf32, #tpu.memory_space<vmem>>, %arg4: memref<8192x128xf32, #tpu.memory_space<vmem>>, %arg5: memref<8192x128xf32, #tpu.memory_space<vmem>>) attributes {dimension_semantics = [#tpu.dimension_semantics<arbitrary>], iteration_bounds = array<i64: 2>, scalar_prefetch = 0 : i64, scratch_operands = 0 : i64, tpu.core_type = #tpu.core_type<tc>, window_params = [{transform_indices = @transform_0, window_bounds = array<i64: 8192>}, {transform_indices = @transform_1, window_bounds = array<i64: 8192>}, {transform_indices = @transform_2, window_bounds = array<i64: 8192, 128>}, {transform_indices = @transform_3, window_bounds = array<i64: 8192, 128>}, {transform_indices = @transform_4, window_bounds = array<i64: 8192, 128>}]} {
    %get3A = arith.constant 0 : index
    %get3A_0 = vector.load %arg1[%get3A] : memref<8192xf32, #tpu.memory_space<vmem>>, vector<8192xf32>
    %reshape3A = vector.shape_cast %get3A_0 : vector<8192xf32> to vector<8192x1xf32>
    %get3A_1 = arith.constant 0 : index
    %get3A_2 = vector.load %arg2[%get3A_1] : memref<8192xf32, #tpu.memory_space<vmem>>, vector<8192xf32>
    %reshape3A_3 = vector.shape_cast %get3A_2 : vector<8192xf32> to vector<8192x1xf32>
    %get3A_4 = arith.constant 0 : index
    %get3A_5 = arith.constant 0 : index
    %get3A_6 = vector.load %arg4[%get3A_4, %get3A_5] : memref<8192x128xf32, #tpu.memory_space<vmem>>, vector<8192x128xf32>
    %mul3A = vector.broadcast %reshape3A_3 : vector<8192x1xf32> to vector<8192x128xf32>
    %mul3A_7 = arith.mulf %mul3A, %get3A_6 : vector<8192x128xf32>
    %get3A_8 = arith.constant 0 : index
    %get3A_9 = arith.constant 0 : index
    %get3A_10 = vector.load %arg3[%get3A_8, %get3A_9] : memref<8192x128xf32, #tpu.memory_space<vmem>>, vector<8192x128xf32>
    %mul3A_11 = vector.broadcast %reshape3A : vector<8192x1xf32> to vector<8192x128xf32>
    %mul3A_12 = arith.mulf %mul3A_11, %get3A_10 : vector<8192x128xf32>
    %add3A = arith.addf %mul3A_7, %mul3A_12 : vector<8192x128xf32>
    %swap3A = arith.constant 0 : index
    %swap3A_13 = arith.constant 0 : index
    %swap3A_14 = vector.load %arg5[%swap3A, %swap3A_13] : memref<8192x128xf32, #tpu.memory_space<vmem>>, vector<8192x128xf32>
    tpu.vector_store %arg5[%swap3A, %swap3A_13], %add3A {strides = array<i32>} : memref<8192x128xf32, #tpu.memory_space<vmem>>, vector<8192x128xf32>,
    return
  }
  func.func @transform_0(%arg0: i32) -> i32 {
    %c0_i32 = arith.constant 0 : i32
    return %arg0 : i32
  }
  func.func @transform_1(%arg0: i32) -> i32 {
    %c0_i32 = arith.constant 0 : i32
    return %arg0 : i32
  }
  func.func @transform_2(%arg0: i32) -> (i32, i32) {
    %c0_i32 = arith.constant 0 : i32
    %c0_i32_0 = arith.constant 0 : i32
    return %arg0, %c0_i32 : i32, i32
  }
  func.func @transform_3(%arg0: i32) -> (i32, i32) {
    %c0_i32 = arith.constant 0 : i32
    %c0_i32_0 = arith.constant 0 : i32
    return %arg0, %c0_i32 : i32, i32
  }
  func.func @transform_4(%arg0: i32) -> (i32, i32) {
    %c0_i32 = arith.constant 0 : i32
    %c0_i32_0 = arith.constant 0 : i32
    return %arg0, %c0_i32 : i32, i32
  }
}

</mosaic_0001>

<sc_bundles>
// kernel: kernel.4.cloned.1.call-start
scs
__scs_entry_jumppad:
0x0: {  	(pc) =	sbr.rel $0x88, $3  }
0x1: {  	(tag) =	ssettag $0x0;
	lr =	simm.s32 $0x1  }
0x2: {  	[smem:$0x3F9E] =	sst lr;
	_ =	strace $0xD0000000  }
0x3: {  	_ = 	snop  }
0x4: {  	_ = 	snop  }
0x5: {  	_ = 	snop  }
0x6: {  	_ = 	snop  }
0x7: {  	_ = 	snop  }
__scs_overlays_trampoline_lowered:
0x8: {  	[smem:$0x3FAD] =	sst s0  }
0x9: {  	[smem:$0x3FAE] =	sst s1  }
0xa: {  	[smem:$0x3FAF] =	sst s2  }
0xb: {  	[smem:$0x3FB0] =	sst s3  }
0xc: {  	[smem:$0x3FB1] =	sst s4  }
0xd: {  	[smem:$0x3FB2] =	sst s5  }
0xe: {  	[smem:$0x3FB3] =	sst s6  }
0xf: {  	[smem:$0x3FB4] =	sst s7  }
0x10: {  	[smem:$0x3FB5] =	sst s8  }
0x11: {  	[smem:$0x3FB6] =	sst s9;
	s0 =	simm.s32 @!p0 $0x0  }
0x12: {  	s1 =	sld [smem:$0x3F9C];
	s0 =	simm.s32 @p0 $0x1  }
0x13: {  	[smem:$0x3FB7] =	sst s0;
	s0 =	simm.s32 @!p1 $0x0  }
0x14: {  	s2 =	sld [smem:$0x3F9B];
	s0 =	simm.s32 @p1 $0x1  }
0x15: {  	[smem:$0x3FB8] =	sst s0;
	s0 =	simm.s32 @!p2 $0x0  }
0x16: {  	s3 =	sld [smem:$0x3FDB];
	s0 =	simm.s32 @p2 $0x1  }
0x17: {  	s4 =	simm.s32 $0x1BF5;
	[smem:$0x3FBA] =	sst s0  }
0x18: {  	s0 =	sld [smem:$0x3F9D];
	_ =	swait.ge [sflag:s4], $0x0  }
0x19: {  	s7 =	sld [smem:$0x3F9E]  }
0x1a: {  	s8 =	sadd.s32 $0xFFFFE003, lr  }
0x1b: {  	s9 =	sadd.s32 $0xFFFFFEF7, lr;
	s5 =	simm.s32 $0xFFFFFFFF;
	p2 =	slt.u32 s8, $0xFFFFF086  }
0x1c: {  	p1 =	slt.u32 s9, $0xF7A;
	s5 =	simm.s32 @!p2 $0x0  }
0x1d: {  	s5 =	simm.s32 @p1 $0x1;
	p0 =	seq.s32 s7, s2  }
0x1e: {  	s7 =	smul.u32 @!p0 $0xF7A, s2;
	p2 =	seq.s32 @!p0 s5, $0x0  }
0x1f: {  	s9 =	smul.u32 $0xF7A, s1;
	s8 =	simm.s32 @!p0 $0x1BF5;
	p2 =	por !p2, p0  }
0x20: {  	[sflag:s8] =	ssyncset.s32 @!p0 $0xFFFFF086;
	s6 =	sadd.s32 @!p0 s3, s7;
	s7 =	simm.s32 @!p0 $0x108  }
0x21: {  	s3 =	sadd.s32 s3, s9;
	s6 =	sadd.s32 @!p0 $0x88, s6;
	s7 =	simm.s32 @p2 $0x1082  }
0x22: {  	[simem:s7], [sflag:s8] =	dma.local @!p0 [hbm:s6], $0xF7A  }
0x23: {  	s9 =	sor.u32 $0xD0000000, s2;
	s6 =	simm.s32 $0x108;
	_ =	swait.ge @!p0 [sflag:s8], $0x0  }
0x24: {  	s3 =	sadd.s32 $0x88, s3;
	s6 =	simm.s32 @!p1 $0x1082;
	[sflag:s4] =	ssyncset.s32 $0xFFFFF086  }
0x25: {  	[simem:s6], [sflag:s4] =	dma.local [hbm:s3], $0xF7A  }
0x26: {  	[smem:$0x3F9E] =	sst s1;
	(tag) =	ssettag s2;
	_ =	strace s9  }
0x27: {  	s1 =	sld [smem:$0x3FAE]  }
0x28: {  	s2 =	sld [smem:$0x3FAF]  }
0x29: {  	s4 =	sld [smem:$0x3FB1]  }
0x2a: {  	p0 =	seq.s32 s5, $0x0;
	s5 =	sld [smem:$0x3FB2]  }
0x2b: {  	s6 =	sld [smem:$0x3FB3]  }
0x2c: {  	s7 =	sld [smem:$0x3FB4]  }
0x2d: {  	s3 =	simm.s32 $0x108;
	s8 =	sld [smem:$0x3FB5]  }
0x2e: {  	s3 =	simm.s32 @!p0 $0x1082;
	s9 =	sld [smem:$0x3FB6]  }
0x2f: {  	lr =	sadd.s32 s0, s3;
	s0 =	sld [smem:$0x3FAD]  }
0x30: {  	s3 =	sld [smem:$0x3FB0]  }
0x31: {  	[smem:$0x3FB9] =	sst s10  }
0x32: {  	s10 =	sld [smem:$0x3FB7];
	_ =	sdelay $0x3  }
0x33: {  	p0 =	seq.s32 s10, $0x1;
	s10 =	sld [smem:$0x3FB9];
	_ =	sdelay $0x3  }
0x34: {  	[smem:$0x3FB9] =	sst s10  }
0x35: {  	s10 =	sld [smem:$0x3FB8];
	_ =	sdelay $0x3  }
0x36: {  	p1 =	seq.s32 s10, $0x1;
	s10 =	sld [smem:$0x3FB9];
	_ =	sdelay $0x3  }
0x37: {  	[smem:$0x3FB9] =	sst s10  }
0x38: {  	s10 =	sld [smem:$0x3FBA]  }
0x39: {  	_ = 	snop;
	(pc) =	sbr.ind lr, $3  }
0x3a: {  	_ = 	snop  }
0x3b: {  	_ = 	snop  }
0x3c: {  	p2 =	seq.s32 s10, $0x1;
	s10 =	sld [smem:$0x3FB9]  }
0x3d: {  	_ =	shalt  }
0x3e: {  	_ =	shalt  }
0x3f: {  	_ =	shalt  }
0x40: {  	_ =	shalt  }
0x41: {  	_ =	shalt  }
0x42: {  	_ =	shalt  }
0x43: {  	_ =	shalt  }
0x44: {  	_ =	shalt  }
0x45: {  	_ =	shalt  }
0x46: {  	_ =	shalt  }
0x47: {  	_ =	shalt  }
0x48: {  	_ =	shalt  }
0x49: {  	_ =	shalt  }
0x4a: {  	_ =	shalt  }
0x4b: {  	_ =	shalt  }
0x4c: {  	_ =	shalt  }
0x4d: {  	_ =	shalt  }
0x4e: {  	_ =	shalt  }
0x4f: {  	_ =	shalt  }
0x50: {  	_ =	shalt  }
0x51: {  	_ =	shalt  }
0x52: {  	_ =	shalt  }
0x53: {  	_ =	shalt  }
0x54: {  	_ =	shalt  }
0x55: {  	_ =	shalt  }
0x56: {  	_ =	shalt  }
0x57: {  	_ =	shalt  }
0x58: {  	_ =	shalt  }
0x59: {  	_ =	shalt  }
0x5a: {  	_ =	shalt  }
0x5b: {  	_ =	shalt  }
0x5c: {  	_ =	shalt  }
0x5d: {  	_ =	shalt  }
0x5e: {  	_ =	shalt  }
0x5f: {  	_ =	shalt  }
0x60: {  	_ =	shalt  }
0x61: {  	_ =	shalt  }
0x62: {  	_ =	shalt  }
0x63: {  	_ =	shalt  }
0x64: {  	_ =	shalt  }
0x65: {  	_ =	shalt  }
0x66: {  	_ =	shalt  }
0x67: {  	_ =	shalt  }
0x68: {  	_ =	shalt  }
0x69: {  	_ =	shalt  }
0x6a: {  	_ =	shalt  }
0x6b: {  	_ =	shalt  }
0x6c: {  	_ =	shalt  }
0x6d: {  	_ =	shalt  }
0x6e: {  	_ =	shalt  }
0x6f: {  	_ =	shalt  }
0x70: {  	_ =	shalt  }
0x71: {  	_ =	shalt  }
0x72: {  	_ =	shalt  }
0x73: {  	_ =	shalt  }
0x74: {  	_ =	shalt  }
0x75: {  	_ =	shalt  }
0x76: {  	_ =	shalt  }
0x77: {  	_ =	shalt  }
0x78: {  	_ =	shalt  }
0x79: {  	_ =	shalt  }
0x7a: {  	_ =	shalt  }
0x7b: {  	_ =	shalt  }
0x7c: {  	_ =	shalt  }
0x7d: {  	_ =	shalt  }
0x7e: {  	_ =	shalt  }
0x7f: {  	_ =	shalt  }
0x80: {  	_ =	shalt  }
0x81: {  	_ =	shalt  }
0x82: {  	_ =	shalt  }
0x83: {  	_ =	shalt  }
0x84: {  	_ =	shalt  }
0x85: {  	_ =	shalt  }
0x86: {  	_ =	shalt  }
0x87: {  	_ =	shalt  }
.Lfunc_end0:
.L_simem_size_0:
called_computation_lowered:
.L_overlay_start_0:
0x88: {  	s0 =	sld [smem:$0x3FD9]  }
0x89: {  	s1 =	sld [smem:$0x3FFE];
	_ =	sdelay $0x3  }
0x8a: {  	s0 =	sadd.s32 s1, s0  }
0x8b: {  	[smem:$0x3FC5] =	sst s0  }
0x8c: {  	_ = 	snop  }
0x8d: {  	s0 =	sld [smem:$0x3FC8]  }
0x8e: {  	s16 =	sld [smem:$0x3FD0];
	(tm) =	ssettm $0x1  }
0x8f: {  	s2 =	sld [smem:$0x3FFB];
	_ =	sdelay $0x3  }
0x90: {  	_ =	strace s2  }
0x91: {  	s2 =	sld [smem:$0x3FFC];
	_ =	sdelay $0x3  }
0x92: {  	_ =	strace s2  }
0x93: {  	s2 =	sld [smem:$0x3FFD];
	_ =	sdelay $0x3  }
0x94: {  	_ =	strace s2  }
0x95: {  	_ =	strace $0x8FFFFFFF  }
0x96: {  	s17 =	sld [smem:$0x3FDB];
	_ =	sdelay $0x1  }
0x97: {  	s3 =	simm.s32 $_scs_section_size  }
0x98: {  	s4 =	simm.s32 $_size__tile_overlayer_lowered;
	s5 =	simm.s32 $_tile_overlayer_lowered  }
0x99: {  	s20 =	simm.s32 $0x1BFF;
	s19 =	sshll.u32 s5, $0x1;
	s2 =	sadd.s32 s3, s17  }
0x9a: {  	s6 =	simm.s32 $0x0;
	s18 =	sshll.u32 s4, $0x1;
	s4 =	sadd.s32 s19, s2  }
0x9b: {  	[timem:s6], [sflag:s20] =	dma.local [hbm:s4], s18  }
0x9c: {  	_ =	swait.ge [sflag:s20], s18  }
0x9d: {  	s3 =	ssub.s32 $0x0, s18;
	[sflag:s20] =	ssyncset.done $0x0  }
0x9e: {  	[sflag:s20] =	ssyncadd.s32 s3;
	_ =	sdelay $0x1  }
0x9f: {  	s21 =	simm.s32 $0x1B8B  }
0xa0: {  	_ =	swait.ge [sflag:s21], $0x1  }
0xa1: {  	[sflag:s21] =	ssyncset.done $0x0  }
0xa2: {  	s23 =	simm.s32 $0x1B8E;
	s22 =	sld [smem:$0x3FFE];
	[sflag:s21] =	ssyncadd.s32 $0xFFFFFFFF  }
0xa3: {  	s24 =	simm.s32 $execute0_lowered;
	[smem:$0x3FD2] =	sst s23  }
0xa4: {  	s4 =	sshll.u32 s24, $0x1;
	_ =	strace $0x80000046;
	[dreg:$0x1] =	wrdreg $0xFFFFFFFF  }
0xa5: {  	s25 =	simm.s32 $_size_execute0_lowered;
	s2 =	sadd.s32 s2, s4;
	[dreg:$0x0] =	wrdreg $0x0  }
0xa6: {  	s4 =	sshll.u32 s25, $0x1;
	[dreg:$0x2] =	wrdreg s2  }
0xa7: {  	[dreg:$0x3] =	wrdreg s4  }
0xa8: {  	[dreg:$0x4] =	wrdreg $0xC0  }
0xa9: {  	_ =	task [dreg:s6], $0x5FFFF  }
0xaa: {  	[dreg:$0x1] =	wrdreg $0xFFFFFFFF  }
0xab: {  	[dreg:$0x0] =	wrdreg $0x60  }
0xac: {  	[dreg:$0x2] =	wrdreg s0  }
0xad: {  	[dreg:$0x3] =	wrdreg s22  }
0xae: {  	[dreg:$0x4] =	wrdreg s16  }
0xaf: {  	[dreg:$0x5] =	wrdreg $0x9  }
0xb0: {  	_ =	task.clear_ibuf [dreg:s6], $0x6FFFF;
	_ =	strace $0x90000046  }
0xb1: {  	s26 =	simm.s32 $0x9;
	_ =	strace $0x80000048  }
0xb2: {  	_ =	swait.ge [sflag:s26], $0x1  }
0xb3: {  	[sflag:s26] =	ssyncadd.s32 $0xFFFFFFFF  }
0xb4: {  	_ =	strace $0x90000048  }
0xb5: {  	_ =	sfence  }
0xb6: {  	s28 =	sld [smem:$0x0];
	_ =	sdelay $0x1  }
0xb7: {  	s29 =	srdreg.scid  }
0xb8: {  	s30 =	sshll.u32 s29, $0xD;
	s31 =	sshrl.u32 s29, $0x2  }
0xb9: {  	s1 =	sand.u32 $0x1, s29;
	s2 =	sand.u32 $0x4000, s30;
	s0 =	sadd.s32 s31, s28  }
0xba: {  	s1 =	sor.u32 s2, s1;
	s0 =	sshll.u32 s0, $0x11  }
0xbb: {  	s0 =	sor.u32 s0, s1  }
0xbc: {  	s0 =	sadd.s32 $0x8F2B, s0  }
0xbd: {  	[sflag:s0] =	ssyncadd.remote.s32 $0x1  }
0xbe: {  	_ =	sfence.sel $0xFFFF  }
0xbf: {  	[dreg:$0x0] =	wrdreg $0xFFFFFFFF;
	(pc) =	sbr.abs _section_cstart, $3  }
0xc0: {  	[dreg:$0x1] =	wrdreg $0xFFFFFFFF  }
0xc1: {  	_ =	task.clear_ibuf [dreg:s6], $0x2FFFF;
	_ =	strace $0x9FFFFFFF  }
0xc2: {  	(tm) =	ssettm $0x7FFFFFFF  }
0xc3: {  	_ =	shalt  }
tec
execute0_lowered:
.L_overlay_start_1:
0x0: {  	(tag) =	ssettag $0x1  }
0x1: {  	s4 =	rddreg [dreg:$0x0]  }
0x2: {  	s7 =	rddreg [dreg:$0x1]  }
0x3: {  	s3 =	rddreg [dreg:$0x2]  }
0x4: {  	s0 =	rddreg [dreg:$0x3];
	s6 =	simm.s32 $0x0;
	s1 =	stileid.u32  }
0x5: {  	[smem:$0x7FF] =	sst s6;
	s2 =	sshll.u32 s1, $0x7  }
0x6: {  	s31 =	simm.s32 $0x1;
	_ =	strace $0x80000047;
	s4 =	sadd.s32 s4, s2  }
0x7: {  	[tilespmem:s6], [sflag:$0x1] =	stream.linear.gather [hbm4b:s4+s6], $0x400, $0x38;
	[tilespmem:$0x1400] =	vst v63  }
0x8: {  	_ =	swait.ge [sflag:s31], $0x400  }
0x9: {  	[sflag:s31] =	ssyncset.done $0x0  }
0xa: {  	s5 =	simm.s32 $0x400;
	s8 =	sadd.s32 $0x1000, s7;
	[sflag:s31] =	ssyncadd.s32 $0xFFFFFC00  }
0xb: {  	[tilespmem:s5], [sflag:$0x1] =	stream.linear.gather [hbm4b:s8+s6], $0x800, $0x38;
	[tilespmem:$0x1400] =	vst v63  }
0xc: {  	_ =	swait.ge [sflag:s31], $0x800  }
0xd: {  	[sflag:s31] =	ssyncset.done $0x0  }
0xe: {  	s6 =	simm.s32 $0x0;
	[sflag:s31] =	ssyncadd.s32 $0xFFFFF800  }
0xf: {  	v1 =	vld [tilespmem:s6+$0x0];
	_ =	sdelay $0x7  }
0x10: {  	v0 =	vld.idx.msk [tilespmem:v1+s5+$0x0], $0xffff  }
0x11: {  	v1 =	vadd.s32 $0x3F0, v1;
	_ =	sdelay $0x2  }
0x12: {  	s4 =	sadd.s32 $0x1200, s7;
	s7 =	simm.s32 $0x10;
	s8 =	simm.s32 $0x80  }
.LBB2_1:
0x13: {  	p0 =	sne.s32 s8, $0xFC0;
	v2 =	vld [tilespmem:s7+$0x0];
	[tilespmem:s6+$0xC00] =	vst v0  }
0x14: {  	v0 =	vld.idx.msk [tilespmem:v1+s5+$0x0], $0xffff;
	_ =	sdelay $0x5  }
0x15: {  	[tilespmem:s6+$0x1000] =	vst v0;
	s6 =	smov.u32 s7  }
0x16: {  	v0 =	vld.idx.msk [tilespmem:v2+s5+$0x0], $0xffff  }
.Ltmp0:
0x17: {  	(pc) =	sbr.rel @p0 .LBB2_1-.Ltmp0, $2  }
0x18: {  	v1 =	vadd.s32 $0x3F0, v2;
	_ =	sdelay $0x2  }
0x19: {  	s7 =	sshra.s32 s8, $0x2;
	s8 =	sadd.s32 $0x40, s8  }
0x1a: {  	_ =	sdelay $0x1  }
0x1b: {  	v2 =	vld [tilespmem:s7+$0x0]  }
0x1c: {  	[tilespmem:s6+$0xC00] =	vst v0  }
0x1d: {  	v0 =	vld.idx.msk [tilespmem:v1+s5+$0x0], $0xffff;
	_ =	sdelay $0x4  }
0x1e: {  	[tilespmem:s6+$0x1000] =	vst v0  }
0x1f: {  	v0 =	vld.idx.msk [tilespmem:v2+s5+$0x0], $0xffff  }
0x20: {  	v63 =	vadd.s32 $0x3F0, v2;
	_ =	sdelay $0x3  }
0x21: {  	[tilespmem:s7+$0xC00] =	vst v0  }
0x22: {  	v0 =	vld.idx.msk [tilespmem:v63+s5+$0x0], $0xffff;
	_ =	sdelay $0x3  }
0x23: {  	s3 =	sadd.s32 s3, s2  }
0x24: {  	s26 =	simm.s32 $0x0;
	s28 =	simm.s32 $0xC00;
	s29 =	simm.s32 $0x1;
	[tilespmem:s7+$0x1000] =	vst v0  }
0x25: {  	[hbm4b:s3+s26] =	stream.linear.scatter [tilespmem:s28], [sflag:$0x1], $0x400, $0x38;
	[tilespmem:$0x1400] =	vst v63  }
0x26: {  	_ =	swait.ge [sflag:s29], $0x400  }
0x27: {  	[sflag:s29] =	ssyncset.done $0x0  }
0x28: {  	s30 =	sadd.s32 s4, s2;
	s31 =	simm.s32 $0x1000;
	[sflag:s29] =	ssyncadd.s32 $0xFFFFFC00  }
0x29: {  	[hbm4b:s30+s26] =	stream.linear.scatter [tilespmem:s31], [sflag:$0x1], $0x400, $0x38;
	[tilespmem:$0x1400] =	vst v63  }
0x2a: {  	_ =	swait.ge [sflag:s29], $0x400  }
0x2b: {  	[sflag:s29] =	ssyncset.done $0x0  }
0x2c: {  	[sflag:s29] =	ssyncadd.s32 $0xFFFFFC00  }
0x2d: {  	_ =	sfence.sel $0x180000  }
0x2e: {  	[bflag:$0x0] =	sbarrier.arrive $0xFFFF  }
0x2f: {  	p0 =	sne.s32 s1, $0x0;
	_ =	strace $0x90000047  }
0x30: {  	s0 =	sadd.s32 @!p0 $0x100000, s0;
	[bflag:$0x2] =	sbarrier.arrive $0xFFFF  }
0x31: {  	[sflag:s0] =	ssyncadd.tile.s32 @!p0 $0x1;
	_ =	shalt  }
.Lfunc_end2:
_tile_overlayer_lowered:
.L_overlay_start_2:
0x32: {  	(tag) =	ssettag $0x2  }
0x33: {  	s0 =	rddreg [dreg:$0x0];
	s2 =	stileid.u32  }
0x34: {  	s1 =	rddreg [dreg:$0x1];
	p0 =	sne.s32 s2, $0x0  }
0x35: {  	s3 =	rddreg [dreg:$0x2];
	[bflag:$0x3] =	sbarrier.arrive $0xFFFF;
	s2 =	simm.s32 @!p0 $0x1C01  }
0x36: {  	[timem:s3], [sflag:s2] =	dma.local @!p0 [hbm:s0], s1  }
0x37: {  	s0 =	simm.s32 @!p0 $0x1  }
0x38: {  	_ =	swait.ge @!p0 [sflag:s0], s1  }
0x39: {  	s1 =	ssub.s32 @!p0 $0x0, s1;
	[sflag:s0] =	ssyncset.done @!p0 $0x0  }
0x3a: {  	[sflag:s0] =	ssyncadd.s32 @!p0 s1  }
0x3b: {  	[bflag:$0x3] =	sbarrier.arrive $0xFFFF  }
0x3c: {  	_ =	shalt  }

</sc_bundles>
